<compile_context>
chip_gen: v7x
topology: tpu7x:2x2x1
jax: 0.10.2.dev20260603
libtpu: 0.0.44.dev20260713+nightly
codegen_flags: <defaults>
</compile_context>

<pallas_src>
import functools

import jax
import jax.numpy as jnp
from jax import lax
from jax.experimental import pallas as pl
from jax.experimental.pallas import tpu as pltpu
from jax.experimental.pallas import tpu_sc as plsc

_MAX_STEPS = 20
_STOP_RELATION = -1
_LANES = 16
_NSUB = 16
_ROW = 128


@functools.lru_cache(maxsize=None)
def _build_sc_scatter(rows_per_tile: int):
    per_tile = rows_per_tile * _ROW
    npad = _NSUB * per_tile

    lanes_i32 = jnp.int32(_LANES)
    per_tile_i32 = jnp.int32(per_tile)
    rows_i32 = jnp.int32(rows_per_tile)

    def body(start_hbm, answer_hbm, out_s, out_a, idx_v, ones_v, zero_v, counts_sh):
        c = lax.axis_index("c")
        s = lax.axis_index("s")

        def zfill(i, _):
            zero_v[pl.ds(i * lanes_i32, _LANES)] = jnp.zeros((_LANES,), jnp.int32)
            return jnp.int32(0)

        lax.fori_loop(jnp.int32(0), jnp.int32(per_tile // _LANES), zfill, jnp.int32(0))

        def ofill(i, _):
            ones_v[pl.ds(i * lanes_i32, _LANES)] = jnp.ones((_LANES,), jnp.int32)
            return jnp.int32(0)

        lax.fori_loop(jnp.int32(0), jnp.int32(_ROW // _LANES), ofill, jnp.int32(0))

        def build(idx_hbm, out_hbm):
            base = pl.multiple_of(s * per_tile_i32, 8)
            pltpu.sync_copy(zero_v, counts_sh.at[pl.ds(base, per_tile)])
            pltpu.sync_copy(
                idx_hbm.at[pl.ds(pl.multiple_of(s * rows_i32, 8), rows_per_tile)], idx_v)
            plsc.subcore_barrier()

            def scat(j, _):
                pltpu.sync_copy(ones_v, counts_sh.at[idx_v.at[j]], add=True)
                return jnp.int32(0)

            lax.fori_loop(jnp.int32(0), jnp.int32(rows_per_tile), scat, jnp.int32(0))
            plsc.subcore_barrier()
            pltpu.sync_copy(counts_sh.at[pl.ds(base, per_tile)], zero_v)
            pltpu.sync_copy(zero_v, out_hbm.at[pl.ds(base, per_tile)])

        @pl.when(c == 0)
        def _():
            build(start_hbm, out_s)

        @pl.when(c == 1)
        def _():
            build(answer_hbm, out_a)

    return pl.kernel(
        body,
        out_type=[
            jax.ShapeDtypeStruct((npad,), jnp.int32),
            jax.ShapeDtypeStruct((npad,), jnp.int32),
        ],
        mesh=plsc.VectorSubcoreMesh(core_axis_name="c", subcore_axis_name="s"),
        scratch_types=[
            pltpu.VMEM((rows_per_tile, _ROW), jnp.int32),
            pltpu.VMEM((_ROW,), jnp.int32),
            pltpu.VMEM((per_tile,), jnp.int32),
            pltpu.VMEM_SHARED((npad,), jnp.int32),
        ],
    )


def _tc_masks_body(cs_ref, ca_ref, s_ref, a_ref, hit_ref, hitm1_ref):
    s_mask = cs_ref[...] > 0
    a_mask = ca_ref[...] > 0
    hit = jnp.logical_and(s_mask, a_mask)
    hit_i32 = hit.astype(jnp.int32)
    s_ref[...] = s_mask.astype(jnp.int8)
    a_ref[...] = a_mask.astype(jnp.int8)
    hit_ref[...] = hit_i32.astype(jnp.int8)
    hitm1_ref[...] = (hit_i32 - 1).astype(jnp.int8)


@functools.lru_cache(maxsize=None)
def _build_tc_masks(nrows: int):
    shp = jax.ShapeDtypeStruct((nrows, _ROW), jnp.int8)
    return pl.pallas_call(_tc_masks_body, out_shape=[shp, shp, shp, shp])


def kernel(edge_index, edge_batch, edge_relations, edge_scores, node_ptr,
           edge_ptr, start_node_locals, start_ptr, answer_node_locals,
           answer_ptr):
    num_graphs = int(node_ptr.shape[0] - 1)
    num_edges = edge_index.shape[1]

    rows_per_tile = -(-num_graphs // (_NSUB * _ROW))
    rows_per_tile = -(-rows_per_tile // 8) * 8
    npad = _NSUB * rows_per_tile * _ROW
    nrows = npad // _ROW

    pad = jnp.full((npad - num_graphs,), num_graphs, jnp.int32)
    s_idx = jnp.concatenate(
        [start_node_locals.astype(jnp.int32), pad]).reshape(nrows, _ROW)
    a_idx = jnp.concatenate(
        [answer_node_locals.astype(jnp.int32), pad]).reshape(nrows, _ROW)

    counts_s, counts_a = _build_sc_scatter(rows_per_tile)(s_idx, a_idx)
    s8, a8, hit8, hitm18 = _build_tc_masks(nrows)(
        counts_s.reshape(nrows, _ROW), counts_a.reshape(nrows, _ROW))

    node_is_start = s8.reshape(-1)[:num_graphs].astype(bool)
    node_is_answer = a8.reshape(-1)[:num_graphs].astype(bool)
    answer_hits = hit8.reshape(-1)[:num_graphs].astype(bool)
    answer_node_hit = hitm18.reshape(-1)[:num_graphs].astype(jnp.int64)
    start_node_hit = answer_node_hit

    active_nodes = node_is_start
    visited_nodes = node_is_start
    used_edge_mask = jnp.zeros((num_edges,), bool)
    actions = jnp.full((num_graphs, _MAX_STEPS + 1), _STOP_RELATION, jnp.int64)
    directions = jnp.zeros((num_graphs, _MAX_STEPS + 1), jnp.int64)
    done = jnp.zeros((num_graphs,), bool)
    step_counts = jnp.zeros((num_graphs,), jnp.int64)
    edge_scores_norm = edge_scores.reshape(-1)
    node_batch = jnp.arange(num_graphs, dtype=jnp.int64)

    return (active_nodes, visited_nodes, used_edge_mask, actions, directions,
            done, step_counts, answer_hits, answer_node_hit, start_node_hit,
            edge_scores_norm, node_is_start, node_is_answer, node_batch)

# --- scband reference (transcript-rebuilt; emitter-appended) ---
"""Pipeline reference for scband-graph-env-62491774157488 (READ-ONLY COPY).

The authoritative reference and input builder live on the scoring server;
editing this copy changes nothing except your own understanding.
"""

import jax, jax.numpy as jnp
import numpy as np
jax.config.update("jax_enable_x64", True)

STOP_RELATION = -1
DIRECTION_FORWARD = 0
MAX_STEPS = 20


def setup_inputs(seed: int = 0) -> dict:
    key = jax.random.key(seed)
    ks = jax.random.split(key, 6)
    num_graphs = 100000
    num_nodes = 100000
    E = 3200000
    edge_index = jax.random.randint(ks[0], (2, E), 0, num_nodes, dtype=jnp.int64)
    edge_batch = jnp.sort(jax.random.randint(ks[1], (E,), 0, num_graphs, dtype=jnp.int64))
    edge_relations = jax.random.randint(ks[2], (E,), 0, 200, dtype=jnp.int64)
    edge_scores = jax.random.uniform(ks[3], (E,), dtype=jnp.float32)
    node_ptr = jnp.arange(num_graphs + 1, dtype=jnp.int64)
    edge_ptr = jnp.arange(num_graphs + 1, dtype=jnp.int64)
    start_node_locals = jax.random.randint(ks[4], (num_graphs,), 0, num_nodes, dtype=jnp.int64)
    start_ptr = jnp.arange(num_graphs + 1, dtype=jnp.int64)
    answer_node_locals = jax.random.randint(ks[5], (num_graphs,), 0, num_nodes, dtype=jnp.int64)
    answer_ptr = jnp.arange(num_graphs + 1, dtype=jnp.int64)
    return {
        "edge_index": edge_index,
        "edge_batch": edge_batch,
        "edge_relations": edge_relations,
        "edge_scores": edge_scores,
        "node_ptr": node_ptr,
        "edge_ptr": edge_ptr,
        "start_node_locals": start_node_locals,
        "start_ptr": start_ptr,
        "answer_node_locals": answer_node_locals,
        "answer_ptr": answer_ptr,
    }


def reference(edge_index, edge_batch, edge_relations, edge_scores, node_ptr, edge_ptr,
              start_node_locals, start_ptr, answer_node_locals, answer_ptr):
    num_edges = edge_index.shape[1]
    num_graphs = int(node_ptr.shape[0] - 1)
    # start counts / missing starts
    start_counts = start_ptr[1:] - start_ptr[:-1]
    missing_start = start_counts == 0
    dummy_mask = jnp.zeros((num_graphs,), dtype=bool)
    # edge scores normalized view
    edge_scores_norm = edge_scores.reshape(-1)
    num_nodes_total = int(node_ptr.shape[0] - 1)
    node_counts = jnp.clip(node_ptr[1:] - node_ptr[:-1], 0, None)
    node_batch = jnp.repeat(jnp.arange(num_graphs, dtype=jnp.int64), node_counts,
                            total_repeat_length=num_nodes_total)
    # node_is_start / node_is_answer built from locals (scatter overwrite)
    node_is_start = jnp.zeros((num_nodes_total,), dtype=bool).at[start_node_locals].set(True)
    node_is_answer = jnp.zeros((num_nodes_total,), dtype=bool).at[answer_node_locals].set(True)
    active_nodes = node_is_start
    visited_nodes = active_nodes
    # answer-hit detection: per-graph min local index of active&answer nodes (scatter amin)
    hit_nodes = active_nodes & node_is_answer
    node_idx = jnp.arange(num_nodes_total, dtype=jnp.int64)
    local_idx = node_idx - node_ptr[node_batch]
    sentinel = jnp.int64(num_nodes_total + 1)
    masked_local = jnp.where(hit_nodes, local_idx, sentinel)
    min_local = jax.ops.segment_min(masked_local, node_batch, num_segments=num_graphs)
    min_local = jnp.minimum(min_local, sentinel)
    has_hit = min_local != sentinel
    answer_hits = has_hit
    answer_node_hit = jnp.where(has_hit, min_local, jnp.int64(-1))
    start_node_hit = jnp.where(answer_hits, answer_node_hit, jnp.int64(-1))
    # fresh state (no cache reuse); stop_on_answer=False
    done = missing_start | dummy_mask
    step_counts = jnp.zeros((num_graphs,), dtype=jnp.int64)
    actions = jnp.full((num_graphs, MAX_STEPS + 1), STOP_RELATION, dtype=jnp.int64)
    directions = jnp.full((num_graphs, MAX_STEPS + 1), DIRECTION_FORWARD, dtype=jnp.int64)
    used_edge_mask = jnp.zeros((num_edges,), dtype=bool)
    return (active_nodes, visited_nodes, used_edge_mask, actions, directions, done,
            step_counts, answer_hits, answer_node_hit, start_node_hit, edge_scores_norm,
            node_is_start, node_is_answer, node_batch)

if __name__ == "__main__":
    import jax
    _d = setup_inputs()
    print(jax.jit(kernel)(*tuple(_d.values())))

</pallas_src>

<mosaic_0001>
#map = affine_map<(d0, d1) -> (0, 0)>
#map1 = affine_map<(d0, d1) -> (0)>
module attributes {stable_mosaic.version = 14 : i64} {
  func.func @_rewritten_body(%arg0: i32, %arg1: i32, %arg2: memref<896x128xi32, #tpu.memory_space<hbm>>, %arg3: memref<896x128xi32, #tpu.memory_space<hbm>>, %arg4: memref<1xi32, #tpu.memory_space<hbm>>, %arg5: memref<1xi32, #tpu.memory_space<hbm>>, %arg6: memref<1xi32, #tpu.memory_space<hbm>>, %arg7: memref<114688xi32, #tpu.memory_space<hbm>>, %arg8: memref<114688xi32, #tpu.memory_space<hbm>>, %arg9: memref<56x128xi32, #tpu.memory_space<vmem>>, %arg10: memref<128xi32, #tpu.memory_space<vmem>>, %arg11: memref<7168xi32, #tpu.memory_space<vmem>>, %arg12: memref<114688xi32, #tpu.memory_space<vmem_shared>>) attributes {dimension_semantics = [#tpu.dimension_semantics<core_parallel>, #tpu.dimension_semantics<subcore_parallel>], iteration_bounds = array<i64: 2, 16>, scalar_prefetch = 0 : i64, scratch_operands = 4 : i64, tpu.core_type = #tpu.core_type<sc_vector_subcore>, window_params = [{transform_indices = #map}, {transform_indices = #map}, {transform_indices = #map1}, {transform_indices = #map1}, {transform_indices = #map1}, {transform_indices = #map1}, {transform_indices = #map1}]} {
    %empty_ref3A = memref.alloca() : memref<16xi32, #tpu.memory_space<vmem>>
    %empty_ref3A_0 = memref.alloca() : memref<16xi32, #tpu.memory_space<vmem>>
    %empty_ref3A_1 = memref.alloca() : memref<16xi32, #tpu.memory_space<vmem>>
    "tpu.region"() ({
      %run_scoped3A = tpu.sem_alloc : memref<!tpu.dma_semaphore, #tpu.memory_space<semaphore_mem>>
      %dma_start3A = arith.constant 0 : i32
      %dma_start3A_46 = tpu.memref_slice %empty_ref3A[%dma_start3A] : memref<16xi32, #tpu.memory_space<vmem>> -> memref<1xi32, #tpu.memory_space<vmem>>
      %dma_start3A_47 = arith.constant 0 : i32
      %dma_start3A_48 = tpu.memref_slice %empty_ref3A[%dma_start3A_47] : memref<16xi32, #tpu.memory_space<vmem>> -> memref<1xi32, #tpu.memory_space<vmem>>
      tpu.enqueue_dma source(%arg4 : memref<1xi32, #tpu.memory_space<hbm>>) target(%dma_start3A_48 : memref<1xi32, #tpu.memory_space<vmem>>) target_semaphore(%run_scoped3A : memref<!tpu.dma_semaphore, #tpu.memory_space<semaphore_mem>>)
      %dma_start3A_49 = arith.constant 0 : i32
      %dma_start3A_50 = tpu.memref_slice %empty_ref3A_0[%dma_start3A_49] : memref<16xi32, #tpu.memory_space<vmem>> -> memref<1xi32, #tpu.memory_space<vmem>>
      %dma_start3A_51 = arith.constant 0 : i32
      %dma_start3A_52 = tpu.memref_slice %empty_ref3A_0[%dma_start3A_51] : memref<16xi32, #tpu.memory_space<vmem>> -> memref<1xi32, #tpu.memory_space<vmem>>
      tpu.enqueue_dma source(%arg5 : memref<1xi32, #tpu.memory_space<hbm>>) target(%dma_start3A_52 : memref<1xi32, #tpu.memory_space<vmem>>) target_semaphore(%run_scoped3A : memref<!tpu.dma_semaphore, #tpu.memory_space<semaphore_mem>>)
      %dma_start3A_53 = arith.constant 0 : i32
      %dma_start3A_54 = tpu.memref_slice %empty_ref3A_1[%dma_start3A_53] : memref<16xi32, #tpu.memory_space<vmem>> -> memref<1xi32, #tpu.memory_space<vmem>>
      %dma_start3A_55 = arith.constant 0 : i32
      %dma_start3A_56 = tpu.memref_slice %empty_ref3A_1[%dma_start3A_55] : memref<16xi32, #tpu.memory_space<vmem>> -> memref<1xi32, #tpu.memory_space<vmem>>
      tpu.enqueue_dma source(%arg6 : memref<1xi32, #tpu.memory_space<hbm>>) target(%dma_start3A_56 : memref<1xi32, #tpu.memory_space<vmem>>) target_semaphore(%run_scoped3A : memref<!tpu.dma_semaphore, #tpu.memory_space<semaphore_mem>>)
      %dma_wait3A = arith.constant 0 : i32
      %dma_wait3A_57 = tpu.memref_slice %empty_ref3A[%dma_wait3A] : memref<16xi32, #tpu.memory_space<vmem>> -> memref<1xi32, #tpu.memory_space<vmem>>
      %dma_wait3A_58 = arith.constant 0 : i32
      %dma_wait3A_59 = tpu.memref_slice %empty_ref3A[%dma_wait3A_58] : memref<16xi32, #tpu.memory_space<vmem>> -> memref<1xi32, #tpu.memory_space<vmem>>
      tpu.wait_dma2 semaphore(%run_scoped3A : memref<!tpu.dma_semaphore, #tpu.memory_space<semaphore_mem>>) src(%arg4 : memref<1xi32, #tpu.memory_space<hbm>>) dst(%dma_wait3A_59 : memref<1xi32, #tpu.memory_space<vmem>>)
      %dma_wait3A_60 = arith.constant 0 : i32
      %dma_wait3A_61 = tpu.memref_slice %empty_ref3A_0[%dma_wait3A_60] : memref<16xi32, #tpu.memory_space<vmem>> -> memref<1xi32, #tpu.memory_space<vmem>>
      %dma_wait3A_62 = arith.constant 0 : i32
      %dma_wait3A_63 = tpu.memref_slice %empty_ref3A_0[%dma_wait3A_62] : memref<16xi32, #tpu.memory_space<vmem>> -> memref<1xi32, #tpu.memory_space<vmem>>
      tpu.wait_dma2 semaphore(%run_scoped3A : memref<!tpu.dma_semaphore, #tpu.memory_space<semaphore_mem>>) src(%arg5 : memref<1xi32, #tpu.memory_space<hbm>>) dst(%dma_wait3A_63 : memref<1xi32, #tpu.memory_space<vmem>>)
      %dma_wait3A_64 = arith.constant 0 : i32
      %dma_wait3A_65 = tpu.memref_slice %empty_ref3A_1[%dma_wait3A_64] : memref<16xi32, #tpu.memory_space<vmem>> -> memref<1xi32, #tpu.memory_space<vmem>>
      %dma_wait3A_66 = arith.constant 0 : i32
      %dma_wait3A_67 = tpu.memref_slice %empty_ref3A_1[%dma_wait3A_66] : memref<16xi32, #tpu.memory_space<vmem>> -> memref<1xi32, #tpu.memory_space<vmem>>
      tpu.wait_dma2 semaphore(%run_scoped3A : memref<!tpu.dma_semaphore, #tpu.memory_space<semaphore_mem>>) src(%arg6 : memref<1xi32, #tpu.memory_space<hbm>>) dst(%dma_wait3A_67 : memref<1xi32, #tpu.memory_space<vmem>>)
      tpu.yield
    }) : () -> ()
    %get3A = arith.constant 0 : index
    %get3A_2 = tpu.vector_load %empty_ref3A[%get3A] {strides = array<i32>} : memref<16xi32, #tpu.memory_space<vmem>>, vector<16xi32>,
    %get3A_3 = vector.shape_cast %get3A_2 : vector<16xi32> to vector<16xi32>
    %slice3A = vector.extract_strided_slice %get3A_3 {offsets = [0], sizes = [1], strides = [1]} : vector<16xi32> to vector<1xi32>
    %squeeze3A = vector.extract %slice3A[0] : i32 from vector<1xi32>
    %get3A_4 = arith.constant 0 : index
    %get3A_5 = tpu.vector_load %empty_ref3A_0[%get3A_4] {strides = array<i32>} : memref<16xi32, #tpu.memory_space<vmem>>, vector<16xi32>,
    %get3A_6 = vector.shape_cast %get3A_5 : vector<16xi32> to vector<16xi32>
    %slice3A_7 = vector.extract_strided_slice %get3A_6 {offsets = [0], sizes = [1], strides = [1]} : vector<16xi32> to vector<1xi32>
    %squeeze3A_8 = vector.extract %slice3A_7[0] : i32 from vector<1xi32>
    %get3A_9 = arith.constant 0 : index
    %get3A_10 = tpu.vector_load %empty_ref3A_1[%get3A_9] {strides = array<i32>} : memref<16xi32, #tpu.memory_space<vmem>>, vector<16xi32>,
    %get3A_11 = vector.shape_cast %get3A_10 : vector<16xi32> to vector<16xi32>
    %slice3A_12 = vector.extract_strided_slice %get3A_11 {offsets = [0], sizes = [1], strides = [1]} : vector<16xi32> to vector<1xi32>
    %squeeze3A_13 = vector.extract %slice3A_12[0] : i32 from vector<1xi32>
    %while3A = arith.constant 0 : i32
    %while3A_14 = arith.constant 448 : i32
    %while3A_15 = arith.constant 0 : i32
    %while3A_16 = arith.subi %while3A_14, %while3A : i32
    %while3A_17 = arith.addi %while3A, %while3A_16 : i32
    %while3A_18 = arith.constant 1 : i32
    %while3A_19 = arith.divsi %while3A_16, %while3A_18 : i32
    %while3A_20 = arith.muli %while3A_19, %while3A_18 : i32
    %while3A_21 = arith.addi %while3A, %while3A_20 : i32
    %while3A_22 = arith.constant 1 : i32
    %while3A_23 = scf.for %while3A_46 = %while3A to %while3A_21 step %while3A_22 iter_args(%while3A_47 = %while3A_15) -> (i32)  : i32 {
      %broadcast_in_dim3A = arith.constant 0 : i32
      %broadcast_in_dim3A_48 = vector.broadcast %broadcast_in_dim3A : i32 to vector<16xi32>
      %mul3A = arith.muli %while3A_46, %squeeze3A : i32
      %swap3A = arith.index_cast %mul3A : i32 to index
      %swap3A_49 = tpu.vector_load %arg11[%swap3A] {strides = array<i32>} : memref<7168xi32, #tpu.memory_space<vmem>>, vector<16xi32>,
      %swap3A_50 = vector.shape_cast %swap3A_49 : vector<16xi32> to vector<16xi32>
      %swap3A_51 = vector.shape_cast %broadcast_in_dim3A_48 : vector<16xi32> to vector<16xi32>
      tpu.vector_store %arg11[%swap3A], %swap3A_51 {strides = array<i32>} : memref<7168xi32, #tpu.memory_space<vmem>>, vector<16xi32>,
      %while3A_52 = arith.constant 0 : i32
      scf.yield %while3A_52 : i32
    }
    %while3A_24 = arith.constant 1 : i32
    %while3A_25 = scf.for %while3A_46 = %while3A_21 to %while3A_17 step %while3A_24 iter_args(%while3A_47 = %while3A_23) -> (i32)  : i32 {
      %broadcast_in_dim3A = arith.constant 0 : i32
      %broadcast_in_dim3A_48 = vector.broadcast %broadcast_in_dim3A : i32 to vector<16xi32>
      %mul3A = arith.muli %while3A_46, %squeeze3A : i32
      %swap3A = arith.index_cast %mul3A : i32 to index
      %swap3A_49 = tpu.vector_load %arg11[%swap3A] {strides = array<i32>} : memref<7168xi32, #tpu.memory_space<vmem>>, vector<16xi32>,
      %swap3A_50 = vector.shape_cast %swap3A_49 : vector<16xi32> to vector<16xi32>
      %swap3A_51 = vector.shape_cast %broadcast_in_dim3A_48 : vector<16xi32> to vector<16xi32>
      tpu.vector_store %arg11[%swap3A], %swap3A_51 {strides = array<i32>} : memref<7168xi32, #tpu.memory_space<vmem>>, vector<16xi32>,
      %while3A_52 = arith.constant 0 : i32
      scf.yield %while3A_52 : i32
    }
    %while3A_26 = arith.constant 0 : i32
    %while3A_27 = arith.constant 8 : i32
    %while3A_28 = arith.constant 0 : i32
    %while3A_29 = arith.subi %while3A_27, %while3A_26 : i32
    %while3A_30 = arith.addi %while3A_26, %while3A_29 : i32
    %while3A_31 = arith.constant 1 : i32
    %while3A_32 = arith.divsi %while3A_29, %while3A_31 : i32
    %while3A_33 = arith.muli %while3A_32, %while3A_31 : i32
    %while3A_34 = arith.addi %while3A_26, %while3A_33 : i32
    %while3A_35 = arith.constant 1 : i32
    %while3A_36 = scf.for %while3A_46 = %while3A_26 to %while3A_34 step %while3A_35 iter_args(%while3A_47 = %while3A_28) -> (i32)  : i32 {
      %broadcast_in_dim3A = arith.constant 1 : i32
      %broadcast_in_dim3A_48 = vector.broadcast %broadcast_in_dim3A : i32 to vector<16xi32>
      %mul3A = arith.muli %while3A_46, %squeeze3A : i32
      %swap3A = arith.index_cast %mul3A : i32 to index
      %swap3A_49 = tpu.vector_load %arg10[%swap3A] {strides = array<i32>} : memref<128xi32, #tpu.memory_space<vmem>>, vector<16xi32>,
      %swap3A_50 = vector.shape_cast %swap3A_49 : vector<16xi32> to vector<16xi32>
      %swap3A_51 = vector.shape_cast %broadcast_in_dim3A_48 : vector<16xi32> to vector<16xi32>
      tpu.vector_store %arg10[%swap3A], %swap3A_51 {strides = array<i32>} : memref<128xi32, #tpu.memory_space<vmem>>, vector<16xi32>,
      %while3A_52 = arith.constant 0 : i32
      scf.yield %while3A_52 : i32
    }
    %while3A_37 = arith.constant 1 : i32
    %while3A_38 = scf.for %while3A_46 = %while3A_34 to %while3A_30 step %while3A_37 iter_args(%while3A_47 = %while3A_36) -> (i32)  : i32 {
      %broadcast_in_dim3A = arith.constant 1 : i32
      %broadcast_in_dim3A_48 = vector.broadcast %broadcast_in_dim3A : i32 to vector<16xi32>
      %mul3A = arith.muli %while3A_46, %squeeze3A : i32
      %swap3A = arith.index_cast %mul3A : i32 to index
      %swap3A_49 = tpu.vector_load %arg10[%swap3A] {strides = array<i32>} : memref<128xi32, #tpu.memory_space<vmem>>, vector<16xi32>,
      %swap3A_50 = vector.shape_cast %swap3A_49 : vector<16xi32> to vector<16xi32>
      %swap3A_51 = vector.shape_cast %broadcast_in_dim3A_48 : vector<16xi32> to vector<16xi32>
      tpu.vector_store %arg10[%swap3A], %swap3A_51 {strides = array<i32>} : memref<128xi32, #tpu.memory_space<vmem>>, vector<16xi32>,
      %while3A_52 = arith.constant 0 : i32
      scf.yield %while3A_52 : i32
    }
    %eq3A = arith.constant 0 : i32
    %eq3A_39 = arith.cmpi eq, %arg0, %eq3A : i32
    %convert_element_type3A = arith.extui %eq3A_39 : i1 to i32
    %cond3A = arith.constant 0 : i32
    %cond3A_40 = arith.cmpi ne, %convert_element_type3A, %cond3A : i32
    scf.if %cond3A_40 {
      %mul3A = arith.muli %arg1, %squeeze3A_8 : i32
      %multiple_of3A = tpu.assume_multiple %mul3A, 8 : i32
      "tpu.region"() ({
        %run_scoped3A = tpu.sem_alloc : memref<!tpu.dma_semaphore, #tpu.memory_space<semaphore_mem>>
        %dma_start3A = tpu.memref_slice %arg12[%multiple_of3A] : memref<114688xi32, #tpu.memory_space<vmem_shared>> -> memref<7168xi32, #tpu.memory_space<vmem_shared>>
        %dma_start3A_62 = tpu.memref_slice %arg12[%multiple_of3A] : memref<114688xi32, #tpu.memory_space<vmem_shared>> -> memref<7168xi32, #tpu.memory_space<vmem_shared>>
        tpu.enqueue_dma source(%arg11 : memref<7168xi32, #tpu.memory_space<vmem>>) target(%dma_start3A_62 : memref<7168xi32, #tpu.memory_space<vmem_shared>>) target_semaphore(%run_scoped3A : memref<!tpu.dma_semaphore, #tpu.memory_space<semaphore_mem>>)
        %dma_wait3A = tpu.memref_slice %arg12[%multiple_of3A] : memref<114688xi32, #tpu.memory_space<vmem_shared>> -> memref<7168xi32, #tpu.memory_space<vmem_shared>>
        %dma_wait3A_63 = tpu.memref_slice %arg12[%multiple_of3A] : memref<114688xi32, #tpu.memory_space<vmem_shared>> -> memref<7168xi32, #tpu.memory_space<vmem_shared>>
        tpu.wait_dma2 semaphore(%run_scoped3A : memref<!tpu.dma_semaphore, #tpu.memory_space<semaphore_mem>>) src(%arg11 : memref<7168xi32, #tpu.memory_space<vmem>>) dst(%dma_wait3A_63 : memref<7168xi32, #tpu.memory_space<vmem_shared>>)
        tpu.yield
      }) : () -> ()
      %mul3A_46 = arith.muli %arg1, %squeeze3A_13 : i32
      %multiple_of3A_47 = tpu.assume_multiple %mul3A_46, 8 : i32
      "tpu.region"() ({
        %run_scoped3A = tpu.sem_alloc : memref<!tpu.dma_semaphore, #tpu.memory_space<semaphore_mem>>
        %dma_start3A = arith.constant 0 : i32
        %dma_start3A_62 = tpu.memref_slice %arg2[%multiple_of3A_47, %dma_start3A] : memref<896x128xi32, #tpu.memory_space<hbm>> -> memref<56x128xi32, #tpu.memory_space<hbm>>
        %dma_start3A_63 = arith.constant 0 : i32
        %dma_start3A_64 = tpu.memref_slice %arg2[%multiple_of3A_47, %dma_start3A_63] : memref<896x128xi32, #tpu.memory_space<hbm>> -> memref<56x128xi32, #tpu.memory_space<hbm>>
        tpu.enqueue_dma source(%dma_start3A_64 : memref<56x128xi32, #tpu.memory_space<hbm>>) target(%arg9 : memref<56x128xi32, #tpu.memory_space<vmem>>) target_semaphore(%run_scoped3A : memref<!tpu.dma_semaphore, #tpu.memory_space<semaphore_mem>>)
        %dma_wait3A = arith.constant 0 : i32
        %dma_wait3A_65 = tpu.memref_slice %arg2[%multiple_of3A_47, %dma_wait3A] : memref<896x128xi32, #tpu.memory_space<hbm>> -> memref<56x128xi32, #tpu.memory_space<hbm>>
        %dma_wait3A_66 = arith.constant 0 : i32
        %dma_wait3A_67 = tpu.memref_slice %arg2[%multiple_of3A_47, %dma_wait3A_66] : memref<896x128xi32, #tpu.memory_space<hbm>> -> memref<56x128xi32, #tpu.memory_space<hbm>>
        tpu.wait_dma2 semaphore(%run_scoped3A : memref<!tpu.dma_semaphore, #tpu.memory_space<semaphore_mem>>) src(%dma_wait3A_67 : memref<56x128xi32, #tpu.memory_space<hbm>>) dst(%arg9 : memref<56x128xi32, #tpu.memory_space<vmem>>)
        tpu.yield
      }) : () -> ()
      %barrier3A = arith.constant 0 : index
      tpu.barrier barrier_id(%barrier3A)
      %while3A_48 = arith.constant 0 : i32
      %while3A_49 = arith.constant 56 : i32
      %while3A_50 = arith.constant 0 : i32
      %while3A_51 = arith.subi %while3A_49, %while3A_48 : i32
      %while3A_52 = arith.addi %while3A_48, %while3A_51 : i32
      %while3A_53 = arith.constant 1 : i32
      %while3A_54 = arith.divsi %while3A_51, %while3A_53 : i32
      %while3A_55 = arith.muli %while3A_54, %while3A_53 : i32
      %while3A_56 = arith.addi %while3A_48, %while3A_55 : i32
      %while3A_57 = arith.constant 1 : i32
      %while3A_58 = scf.for %while3A_62 = %while3A_48 to %while3A_56 step %while3A_57 iter_args(%while3A_63 = %while3A_50) -> (i32)  : i32 {
        "tpu.region"() ({
          %run_scoped3A = tpu.sem_alloc : memref<!tpu.dma_semaphore, #tpu.memory_space<semaphore_mem>>
          %dma_start3A = arith.constant 0 : i32
          %dma_start3A_65 = tpu.memref_slice %arg9[%while3A_62, %dma_start3A] : memref<56x128xi32, #tpu.memory_space<vmem>> -> memref<1x128xi32, #tpu.memory_space<vmem>>
          %dma_start3A_66 = tpu.memref_squeeze %dma_start3A_65 : memref<1x128xi32, #tpu.memory_space<vmem>> -> memref<128xi32, #tpu.memory_space<vmem>>
          %dma_start3A_67 = arith.constant 0 : i32
          %dma_start3A_68 = tpu.memref_slice %arg12[%dma_start3A_67] : memref<114688xi32, #tpu.memory_space<vmem_shared>> -> memref<114688xi32, #tpu.memory_space<vmem_shared>>
          tpu.enqueue_indirect_dma source(%arg10 : memref<128xi32, #tpu.memory_space<vmem>>) target(%dma_start3A_68 : memref<114688xi32, #tpu.memory_space<vmem_shared>>) offsets(%dma_start3A_66 : memref<128xi32, #tpu.memory_space<vmem>>) semaphore(%run_scoped3A : memref<!tpu.dma_semaphore, #tpu.memory_space<semaphore_mem>>) {add = true}
          %dma_wait3A = arith.constant 0 : i32
          %dma_wait3A_69 = tpu.memref_slice %arg9[%while3A_62, %dma_wait3A] : memref<56x128xi32, #tpu.memory_space<vmem>> -> memref<1x128xi32, #tpu.memory_space<vmem>>
          %dma_wait3A_70 = tpu.memref_squeeze %dma_wait3A_69 : memref<1x128xi32, #tpu.memory_space<vmem>> -> memref<128xi32, #tpu.memory_space<vmem>>
          %dma_wait3A_71 = arith.constant 0 : i32
          %dma_wait3A_72 = tpu.memref_slice %arg12[%dma_wait3A_71] : memref<114688xi32, #tpu.memory_space<vmem_shared>> -> memref<114688xi32, #tpu.memory_space<vmem_shared>>
          tpu.wait_indirect_dma semaphore(%run_scoped3A : memref<!tpu.dma_semaphore, #tpu.memory_space<semaphore_mem>>) src(%arg10 : memref<128xi32, #tpu.memory_space<vmem>>) dst(%dma_wait3A_72 : memref<114688xi32, #tpu.memory_space<vmem_shared>>)
          tpu.yield
        }) : () -> ()
        %while3A_64 = arith.constant 0 : i32
        scf.yield %while3A_64 : i32
      }
      %while3A_59 = arith.constant 1 : i32
      %while3A_60 = scf.for %while3A_62 = %while3A_56 to %while3A_52 step %while3A_59 iter_args(%while3A_63 = %while3A_58) -> (i32)  : i32 {
        "tpu.region"() ({
          %run_scoped3A = tpu.sem_alloc : memref<!tpu.dma_semaphore, #tpu.memory_space<semaphore_mem>>
          %dma_start3A = arith.constant 0 : i32
          %dma_start3A_65 = tpu.memref_slice %arg9[%while3A_62, %dma_start3A] : memref<56x128xi32, #tpu.memory_space<vmem>> -> memref<1x128xi32, #tpu.memory_space<vmem>>
          %dma_start3A_66 = tpu.memref_squeeze %dma_start3A_65 : memref<1x128xi32, #tpu.memory_space<vmem>> -> memref<128xi32, #tpu.memory_space<vmem>>
          %dma_start3A_67 = arith.constant 0 : i32
          %dma_start3A_68 = tpu.memref_slice %arg12[%dma_start3A_67] : memref<114688xi32, #tpu.memory_space<vmem_shared>> -> memref<114688xi32, #tpu.memory_space<vmem_shared>>
          tpu.enqueue_indirect_dma source(%arg10 : memref<128xi32, #tpu.memory_space<vmem>>) target(%dma_start3A_68 : memref<114688xi32, #tpu.memory_space<vmem_shared>>) offsets(%dma_start3A_66 : memref<128xi32, #tpu.memory_space<vmem>>) semaphore(%run_scoped3A : memref<!tpu.dma_semaphore, #tpu.memory_space<semaphore_mem>>) {add = true}
          %dma_wait3A = arith.constant 0 : i32
          %dma_wait3A_69 = tpu.memref_slice %arg9[%while3A_62, %dma_wait3A] : memref<56x128xi32, #tpu.memory_space<vmem>> -> memref<1x128xi32, #tpu.memory_space<vmem>>
          %dma_wait3A_70 = tpu.memref_squeeze %dma_wait3A_69 : memref<1x128xi32, #tpu.memory_space<vmem>> -> memref<128xi32, #tpu.memory_space<vmem>>
          %dma_wait3A_71 = arith.constant 0 : i32
          %dma_wait3A_72 = tpu.memref_slice %arg12[%dma_wait3A_71] : memref<114688xi32, #tpu.memory_space<vmem_shared>> -> memref<114688xi32, #tpu.memory_space<vmem_shared>>
          tpu.wait_indirect_dma semaphore(%run_scoped3A : memref<!tpu.dma_semaphore, #tpu.memory_space<semaphore_mem>>) src(%arg10 : memref<128xi32, #tpu.memory_space<vmem>>) dst(%dma_wait3A_72 : memref<114688xi32, #tpu.memory_space<vmem_shared>>)
          tpu.yield
        }) : () -> ()
        %while3A_64 = arith.constant 0 : i32
        scf.yield %while3A_64 : i32
      }
      %barrier3A_61 = arith.constant 0 : index
      tpu.barrier barrier_id(%barrier3A_61)
      "tpu.region"() ({
        %run_scoped3A = tpu.sem_alloc : memref<!tpu.dma_semaphore, #tpu.memory_space<semaphore_mem>>
        %dma_start3A = tpu.memref_slice %arg12[%multiple_of3A] : memref<114688xi32, #tpu.memory_space<vmem_shared>> -> memref<7168xi32, #tpu.memory_space<vmem_shared>>
        %dma_start3A_62 = tpu.memref_slice %arg12[%multiple_of3A] : memref<114688xi32, #tpu.memory_space<vmem_shared>> -> memref<7168xi32, #tpu.memory_space<vmem_shared>>
        tpu.enqueue_dma source(%dma_start3A_62 : memref<7168xi32, #tpu.memory_space<vmem_shared>>) target(%arg11 : memref<7168xi32, #tpu.memory_space<vmem>>) target_semaphore(%run_scoped3A : memref<!tpu.dma_semaphore, #tpu.memory_space<semaphore_mem>>)
        %dma_wait3A = tpu.memref_slice %arg12[%multiple_of3A] : memref<114688xi32, #tpu.memory_space<vmem_shared>> -> memref<7168xi32, #tpu.memory_space<vmem_shared>>
        %dma_wait3A_63 = tpu.memref_slice %arg12[%multiple_of3A] : memref<114688xi32, #tpu.memory_space<vmem_shared>> -> memref<7168xi32, #tpu.memory_space<vmem_shared>>
        tpu.wait_dma2 semaphore(%run_scoped3A : memref<!tpu.dma_semaphore, #tpu.memory_space<semaphore_mem>>) src(%dma_wait3A_63 : memref<7168xi32, #tpu.memory_space<vmem_shared>>) dst(%arg11 : memref<7168xi32, #tpu.memory_space<vmem>>)
        tpu.yield
      }) : () -> ()
      "tpu.region"() ({
        %run_scoped3A = tpu.sem_alloc : memref<!tpu.dma_semaphore, #tpu.memory_space<semaphore_mem>>
        %dma_start3A = tpu.memref_slice %arg7[%multiple_of3A] : memref<114688xi32, #tpu.memory_space<hbm>> -> memref<7168xi32, #tpu.memory_space<hbm>>
        %dma_start3A_62 = tpu.memref_slice %arg7[%multiple_of3A] : memref<114688xi32, #tpu.memory_space<hbm>> -> memref<7168xi32, #tpu.memory_space<hbm>>
        tpu.enqueue_dma source(%arg11 : memref<7168xi32, #tpu.memory_space<vmem>>) target(%dma_start3A_62 : memref<7168xi32, #tpu.memory_space<hbm>>) target_semaphore(%run_scoped3A : memref<!tpu.dma_semaphore, #tpu.memory_space<semaphore_mem>>)
        %dma_wait3A = tpu.memref_slice %arg7[%multiple_of3A] : memref<114688xi32, #tpu.memory_space<hbm>> -> memref<7168xi32, #tpu.memory_space<hbm>>
        %dma_wait3A_63 = tpu.memref_slice %arg7[%multiple_of3A] : memref<114688xi32, #tpu.memory_space<hbm>> -> memref<7168xi32, #tpu.memory_space<hbm>>
        tpu.wait_dma2 semaphore(%run_scoped3A : memref<!tpu.dma_semaphore, #tpu.memory_space<semaphore_mem>>) src(%arg11 : memref<7168xi32, #tpu.memory_space<vmem>>) dst(%dma_wait3A_63 : memref<7168xi32, #tpu.memory_space<hbm>>)
        tpu.yield
      }) : () -> ()
    } else {
    }
    %eq3A_41 = arith.constant 1 : i32
    %eq3A_42 = arith.cmpi eq, %arg0, %eq3A_41 : i32
    %convert_element_type3A_43 = arith.extui %eq3A_42 : i1 to i32
    %cond3A_44 = arith.constant 0 : i32
    %cond3A_45 = arith.cmpi ne, %convert_element_type3A_43, %cond3A_44 : i32
    scf.if %cond3A_45 {
      %mul3A = arith.muli %arg1, %squeeze3A_8 : i32
      %multiple_of3A = tpu.assume_multiple %mul3A, 8 : i32
      "tpu.region"() ({
        %run_scoped3A = tpu.sem_alloc : memref<!tpu.dma_semaphore, #tpu.memory_space<semaphore_mem>>
        %dma_start3A = tpu.memref_slice %arg12[%multiple_of3A] : memref<114688xi32, #tpu.memory_space<vmem_shared>> -> memref<7168xi32, #tpu.memory_space<vmem_shared>>
        %dma_start3A_62 = tpu.memref_slice %arg12[%multiple_of3A] : memref<114688xi32, #tpu.memory_space<vmem_shared>> -> memref<7168xi32, #tpu.memory_space<vmem_shared>>
        tpu.enqueue_dma source(%arg11 : memref<7168xi32, #tpu.memory_space<vmem>>) target(%dma_start3A_62 : memref<7168xi32, #tpu.memory_space<vmem_shared>>) target_semaphore(%run_scoped3A : memref<!tpu.dma_semaphore, #tpu.memory_space<semaphore_mem>>)
        %dma_wait3A = tpu.memref_slice %arg12[%multiple_of3A] : memref<114688xi32, #tpu.memory_space<vmem_shared>> -> memref<7168xi32, #tpu.memory_space<vmem_shared>>
        %dma_wait3A_63 = tpu.memref_slice %arg12[%multiple_of3A] : memref<114688xi32, #tpu.memory_space<vmem_shared>> -> memref<7168xi32, #tpu.memory_space<vmem_shared>>
        tpu.wait_dma2 semaphore(%run_scoped3A : memref<!tpu.dma_semaphore, #tpu.memory_space<semaphore_mem>>) src(%arg11 : memref<7168xi32, #tpu.memory_space<vmem>>) dst(%dma_wait3A_63 : memref<7168xi32, #tpu.memory_space<vmem_shared>>)
        tpu.yield
      }) : () -> ()
      %mul3A_46 = arith.muli %arg1, %squeeze3A_13 : i32
      %multiple_of3A_47 = tpu.assume_multiple %mul3A_46, 8 : i32
      "tpu.region"() ({
        %run_scoped3A = tpu.sem_alloc : memref<!tpu.dma_semaphore, #tpu.memory_space<semaphore_mem>>
        %dma_start3A = arith.constant 0 : i32
        %dma_start3A_62 = tpu.memref_slice %arg3[%multiple_of3A_47, %dma_start3A] : memref<896x128xi32, #tpu.memory_space<hbm>> -> memref<56x128xi32, #tpu.memory_space<hbm>>
        %dma_start3A_63 = arith.constant 0 : i32
        %dma_start3A_64 = tpu.memref_slice %arg3[%multiple_of3A_47, %dma_start3A_63] : memref<896x128xi32, #tpu.memory_space<hbm>> -> memref<56x128xi32, #tpu.memory_space<hbm>>
        tpu.enqueue_dma source(%dma_start3A_64 : memref<56x128xi32, #tpu.memory_space<hbm>>) target(%arg9 : memref<56x128xi32, #tpu.memory_space<vmem>>) target_semaphore(%run_scoped3A : memref<!tpu.dma_semaphore, #tpu.memory_space<semaphore_mem>>)
        %dma_wait3A = arith.constant 0 : i32
        %dma_wait3A_65 = tpu.memref_slice %arg3[%multiple_of3A_47, %dma_wait3A] : memref<896x128xi32, #tpu.memory_space<hbm>> -> memref<56x128xi32, #tpu.memory_space<hbm>>
        %dma_wait3A_66 = arith.constant 0 : i32
        %dma_wait3A_67 = tpu.memref_slice %arg3[%multiple_of3A_47, %dma_wait3A_66] : memref<896x128xi32, #tpu.memory_space<hbm>> -> memref<56x128xi32, #tpu.memory_space<hbm>>
        tpu.wait_dma2 semaphore(%run_scoped3A : memref<!tpu.dma_semaphore, #tpu.memory_space<semaphore_mem>>) src(%dma_wait3A_67 : memref<56x128xi32, #tpu.memory_space<hbm>>) dst(%arg9 : memref<56x128xi32, #tpu.memory_space<vmem>>)
        tpu.yield
      }) : () -> ()
      %barrier3A = arith.constant 0 : index
      tpu.barrier barrier_id(%barrier3A)
      %while3A_48 = arith.constant 0 : i32
      %while3A_49 = arith.constant 56 : i32
      %while3A_50 = arith.constant 0 : i32
      %while3A_51 = arith.subi %while3A_49, %while3A_48 : i32
      %while3A_52 = arith.addi %while3A_48, %while3A_51 : i32
      %while3A_53 = arith.constant 1 : i32
      %while3A_54 = arith.divsi %while3A_51, %while3A_53 : i32
      %while3A_55 = arith.muli %while3A_54, %while3A_53 : i32
      %while3A_56 = arith.addi %while3A_48, %while3A_55 : i32
      %while3A_57 = arith.constant 1 : i32
      %while3A_58 = scf.for %while3A_62 = %while3A_48 to %while3A_56 step %while3A_57 iter_args(%while3A_63 = %while3A_50) -> (i32)  : i32 {
        "tpu.region"() ({
          %run_scoped3A = tpu.sem_alloc : memref<!tpu.dma_semaphore, #tpu.memory_space<semaphore_mem>>
          %dma_start3A = arith.constant 0 : i32
          %dma_start3A_65 = tpu.memref_slice %arg9[%while3A_62, %dma_start3A] : memref<56x128xi32, #tpu.memory_space<vmem>> -> memref<1x128xi32, #tpu.memory_space<vmem>>
          %dma_start3A_66 = tpu.memref_squeeze %dma_start3A_65 : memref<1x128xi32, #tpu.memory_space<vmem>> -> memref<128xi32, #tpu.memory_space<vmem>>
          %dma_start3A_67 = arith.constant 0 : i32
          %dma_start3A_68 = tpu.memref_slice %arg12[%dma_start3A_67] : memref<114688xi32, #tpu.memory_space<vmem_shared>> -> memref<114688xi32, #tpu.memory_space<vmem_shared>>
          tpu.enqueue_indirect_dma source(%arg10 : memref<128xi32, #tpu.memory_space<vmem>>) target(%dma_start3A_68 : memref<114688xi32, #tpu.memory_space<vmem_shared>>) offsets(%dma_start3A_66 : memref<128xi32, #tpu.memory_space<vmem>>) semaphore(%run_scoped3A : memref<!tpu.dma_semaphore, #tpu.memory_space<semaphore_mem>>) {add = true}
          %dma_wait3A = arith.constant 0 : i32
          %dma_wait3A_69 = tpu.memref_slice %arg9[%while3A_62, %dma_wait3A] : memref<56x128xi32, #tpu.memory_space<vmem>> -> memref<1x128xi32, #tpu.memory_space<vmem>>
          %dma_wait3A_70 = tpu.memref_squeeze %dma_wait3A_69 : memref<1x128xi32, #tpu.memory_space<vmem>> -> memref<128xi32, #tpu.memory_space<vmem>>
          %dma_wait3A_71 = arith.constant 0 : i32
          %dma_wait3A_72 = tpu.memref_slice %arg12[%dma_wait3A_71] : memref<114688xi32, #tpu.memory_space<vmem_shared>> -> memref<114688xi32, #tpu.memory_space<vmem_shared>>
          tpu.wait_indirect_dma semaphore(%run_scoped3A : memref<!tpu.dma_semaphore, #tpu.memory_space<semaphore_mem>>) src(%arg10 : memref<128xi32, #tpu.memory_space<vmem>>) dst(%dma_wait3A_72 : memref<114688xi32, #tpu.memory_space<vmem_shared>>)
          tpu.yield
        }) : () -> ()
        %while3A_64 = arith.constant 0 : i32
        scf.yield %while3A_64 : i32
      }
      %while3A_59 = arith.constant 1 : i32
      %while3A_60 = scf.for %while3A_62 = %while3A_56 to %while3A_52 step %while3A_59 iter_args(%while3A_63 = %while3A_58) -> (i32)  : i32 {
        "tpu.region"() ({
          %run_scoped3A = tpu.sem_alloc : memref<!tpu.dma_semaphore, #tpu.memory_space<semaphore_mem>>
          %dma_start3A = arith.constant 0 : i32
          %dma_start3A_65 = tpu.memref_slice %arg9[%while3A_62, %dma_start3A] : memref<56x128xi32, #tpu.memory_space<vmem>> -> memref<1x128xi32, #tpu.memory_space<vmem>>
          %dma_start3A_66 = tpu.memref_squeeze %dma_start3A_65 : memref<1x128xi32, #tpu.memory_space<vmem>> -> memref<128xi32, #tpu.memory_space<vmem>>
          %dma_start3A_67 = arith.constant 0 : i32
          %dma_start3A_68 = tpu.memref_slice %arg12[%dma_start3A_67] : memref<114688xi32, #tpu.memory_space<vmem_shared>> -> memref<114688xi32, #tpu.memory_space<vmem_shared>>
          tpu.enqueue_indirect_dma source(%arg10 : memref<128xi32, #tpu.memory_space<vmem>>) target(%dma_start3A_68 : memref<114688xi32, #tpu.memory_space<vmem_shared>>) offsets(%dma_start3A_66 : memref<128xi32, #tpu.memory_space<vmem>>) semaphore(%run_scoped3A : memref<!tpu.dma_semaphore, #tpu.memory_space<semaphore_mem>>) {add = true}
          %dma_wait3A = arith.constant 0 : i32
          %dma_wait3A_69 = tpu.memref_slice %arg9[%while3A_62, %dma_wait3A] : memref<56x128xi32, #tpu.memory_space<vmem>> -> memref<1x128xi32, #tpu.memory_space<vmem>>
          %dma_wait3A_70 = tpu.memref_squeeze %dma_wait3A_69 : memref<1x128xi32, #tpu.memory_space<vmem>> -> memref<128xi32, #tpu.memory_space<vmem>>
          %dma_wait3A_71 = arith.constant 0 : i32
          %dma_wait3A_72 = tpu.memref_slice %arg12[%dma_wait3A_71] : memref<114688xi32, #tpu.memory_space<vmem_shared>> -> memref<114688xi32, #tpu.memory_space<vmem_shared>>
          tpu.wait_indirect_dma semaphore(%run_scoped3A : memref<!tpu.dma_semaphore, #tpu.memory_space<semaphore_mem>>) src(%arg10 : memref<128xi32, #tpu.memory_space<vmem>>) dst(%dma_wait3A_72 : memref<114688xi32, #tpu.memory_space<vmem_shared>>)
          tpu.yield
        }) : () -> ()
        %while3A_64 = arith.constant 0 : i32
        scf.yield %while3A_64 : i32
      }
      %barrier3A_61 = arith.constant 0 : index
      tpu.barrier barrier_id(%barrier3A_61)
      "tpu.region"() ({
        %run_scoped3A = tpu.sem_alloc : memref<!tpu.dma_semaphore, #tpu.memory_space<semaphore_mem>>
        %dma_start3A = tpu.memref_slice %arg12[%multiple_of3A] : memref<114688xi32, #tpu.memory_space<vmem_shared>> -> memref<7168xi32, #tpu.memory_space<vmem_shared>>
        %dma_start3A_62 = tpu.memref_slice %arg12[%multiple_of3A] : memref<114688xi32, #tpu.memory_space<vmem_shared>> -> memref<7168xi32, #tpu.memory_space<vmem_shared>>
        tpu.enqueue_dma source(%dma_start3A_62 : memref<7168xi32, #tpu.memory_space<vmem_shared>>) target(%arg11 : memref<7168xi32, #tpu.memory_space<vmem>>) target_semaphore(%run_scoped3A : memref<!tpu.dma_semaphore, #tpu.memory_space<semaphore_mem>>)
        %dma_wait3A = tpu.memref_slice %arg12[%multiple_of3A] : memref<114688xi32, #tpu.memory_space<vmem_shared>> -> memref<7168xi32, #tpu.memory_space<vmem_shared>>
        %dma_wait3A_63 = tpu.memref_slice %arg12[%multiple_of3A] : memref<114688xi32, #tpu.memory_space<vmem_shared>> -> memref<7168xi32, #tpu.memory_space<vmem_shared>>
        tpu.wait_dma2 semaphore(%run_scoped3A : memref<!tpu.dma_semaphore, #tpu.memory_space<semaphore_mem>>) src(%dma_wait3A_63 : memref<7168xi32, #tpu.memory_space<vmem_shared>>) dst(%arg11 : memref<7168xi32, #tpu.memory_space<vmem>>)
        tpu.yield
      }) : () -> ()
      "tpu.region"() ({
        %run_scoped3A = tpu.sem_alloc : memref<!tpu.dma_semaphore, #tpu.memory_space<semaphore_mem>>
        %dma_start3A = tpu.memref_slice %arg8[%multiple_of3A] : memref<114688xi32, #tpu.memory_space<hbm>> -> memref<7168xi32, #tpu.memory_space<hbm>>
        %dma_start3A_62 = tpu.memref_slice %arg8[%multiple_of3A] : memref<114688xi32, #tpu.memory_space<hbm>> -> memref<7168xi32, #tpu.memory_space<hbm>>
        tpu.enqueue_dma source(%arg11 : memref<7168xi32, #tpu.memory_space<vmem>>) target(%dma_start3A_62 : memref<7168xi32, #tpu.memory_space<hbm>>) target_semaphore(%run_scoped3A : memref<!tpu.dma_semaphore, #tpu.memory_space<semaphore_mem>>)
        %dma_wait3A = tpu.memref_slice %arg8[%multiple_of3A] : memref<114688xi32, #tpu.memory_space<hbm>> -> memref<7168xi32, #tpu.memory_space<hbm>>
        %dma_wait3A_63 = tpu.memref_slice %arg8[%multiple_of3A] : memref<114688xi32, #tpu.memory_space<hbm>> -> memref<7168xi32, #tpu.memory_space<hbm>>
        tpu.wait_dma2 semaphore(%run_scoped3A : memref<!tpu.dma_semaphore, #tpu.memory_space<semaphore_mem>>) src(%arg11 : memref<7168xi32, #tpu.memory_space<vmem>>) dst(%dma_wait3A_63 : memref<7168xi32, #tpu.memory_space<hbm>>)
        tpu.yield
      }) : () -> ()
    } else {
    }
    return
  }
}

module attributes {stable_mosaic.version = 14 : i64} {
  func.func @_tc_masks_body(%arg0: memref<896x128xi32, #tpu.memory_space<vmem>>, %arg1: memref<896x128xi32, #tpu.memory_space<vmem>>, %arg2: memref<896x128xi8, #tpu.memory_space<vmem>>, %arg3: memref<896x128xi8, #tpu.memory_space<vmem>>, %arg4: memref<896x128xi8, #tpu.memory_space<vmem>>, %arg5: memref<896x128xi8, #tpu.memory_space<vmem>>) attributes {dimension_semantics = [], scalar_prefetch = 0 : i64, scratch_operands = 0 : i64, tpu.core_type = #tpu.core_type<tc>} {
    %get3A = arith.constant 0 : index
    %get3A_0 = arith.constant 0 : index
    %get3A_1 = vector.load %arg0[%get3A, %get3A_0] : memref<896x128xi32, #tpu.memory_space<vmem>>, vector<896x128xi32>
    %gt3A = arith.constant 0 : i32
    %gt3A_2 = vector.broadcast %gt3A : i32 to vector<896x128xi32>
    %gt3A_3 = arith.cmpi sgt, %get3A_1, %gt3A_2 : vector<896x128xi32>
    %get3A_4 = arith.constant 0 : index
    %get3A_5 = arith.constant 0 : index
    %get3A_6 = vector.load %arg1[%get3A_4, %get3A_5] : memref<896x128xi32, #tpu.memory_space<vmem>>, vector<896x128xi32>
    %gt3A_7 = arith.constant 0 : i32
    %gt3A_8 = vector.broadcast %gt3A_7 : i32 to vector<896x128xi32>
    %gt3A_9 = arith.cmpi sgt, %get3A_6, %gt3A_8 : vector<896x128xi32>
    %and3A = arith.andi %gt3A_3, %gt3A_9 : vector<896x128xi1>
    %convert_element_type3A = arith.extui %and3A : vector<896x128xi1> to vector<896x128xi32>
    %convert_element_type3A_10 = arith.extui %gt3A_3 : vector<896x128xi1> to vector<896x128xi8>
    %swap3A = arith.constant 0 : index
    %swap3A_11 = arith.constant 0 : index
    %swap3A_12 = vector.load %arg2[%swap3A, %swap3A_11] : memref<896x128xi8, #tpu.memory_space<vmem>>, vector<896x128xi8>
    tpu.vector_store %arg2[%swap3A, %swap3A_11], %convert_element_type3A_10 {strides = array<i32>} : memref<896x128xi8, #tpu.memory_space<vmem>>, vector<896x128xi8>,
    %convert_element_type3A_13 = arith.extui %gt3A_9 : vector<896x128xi1> to vector<896x128xi8>
    %swap3A_14 = arith.constant 0 : index
    %swap3A_15 = arith.constant 0 : index
    %swap3A_16 = vector.load %arg3[%swap3A_14, %swap3A_15] : memref<896x128xi8, #tpu.memory_space<vmem>>, vector<896x128xi8>
    tpu.vector_store %arg3[%swap3A_14, %swap3A_15], %convert_element_type3A_13 {strides = array<i32>} : memref<896x128xi8, #tpu.memory_space<vmem>>, vector<896x128xi8>,
    %convert_element_type3A_17 = arith.trunci %convert_element_type3A : vector<896x128xi32> to vector<896x128xi8>
    %swap3A_18 = arith.constant 0 : index
    %swap3A_19 = arith.constant 0 : index
    %swap3A_20 = vector.load %arg4[%swap3A_18, %swap3A_19] : memref<896x128xi8, #tpu.memory_space<vmem>>, vector<896x128xi8>
    tpu.vector_store %arg4[%swap3A_18, %swap3A_19], %convert_element_type3A_17 {strides = array<i32>} : memref<896x128xi8, #tpu.memory_space<vmem>>, vector<896x128xi8>,
    %sub3A = arith.constant 1 : i32
    %sub3A_21 = vector.broadcast %sub3A : i32 to vector<896x128xi32>
    %sub3A_22 = arith.subi %convert_element_type3A, %sub3A_21 : vector<896x128xi32>
    %convert_element_type3A_23 = arith.trunci %sub3A_22 : vector<896x128xi32> to vector<896x128xi8>
    %swap3A_24 = arith.constant 0 : index
    %swap3A_25 = arith.constant 0 : index
    %swap3A_26 = vector.load %arg5[%swap3A_24, %swap3A_25] : memref<896x128xi8, #tpu.memory_space<vmem>>, vector<896x128xi8>
    tpu.vector_store %arg5[%swap3A_24, %swap3A_25], %convert_element_type3A_23 {strides = array<i32>} : memref<896x128xi8, #tpu.memory_space<vmem>>, vector<896x128xi8>,
    return
  }
}

</mosaic_0001>

<sc_bundles>
// kernel: kernel.4.cloned.1.call-start
scs
__scs_entry_jumppad:
0x0: {  	(pc) =	sbr.rel $0x88, $3  }
0x1: {  	(tag) =	ssettag $0x0;
	lr =	simm.s32 $0x1  }
0x2: {  	[smem:$0x3F9E] =	sst lr;
	_ =	strace $0xD0000000  }
0x3: {  	_ = 	snop  }
0x4: {  	_ = 	snop  }
0x5: {  	_ = 	snop  }
0x6: {  	_ = 	snop  }
0x7: {  	_ = 	snop  }
__scs_overlays_trampoline_lowered:
0x8: {  	[smem:$0x3FAD] =	sst s0  }
0x9: {  	[smem:$0x3FAE] =	sst s1  }
0xa: {  	[smem:$0x3FAF] =	sst s2  }
0xb: {  	[smem:$0x3FB0] =	sst s3  }
0xc: {  	[smem:$0x3FB1] =	sst s4  }
0xd: {  	[smem:$0x3FB2] =	sst s5  }
0xe: {  	[smem:$0x3FB3] =	sst s6  }
0xf: {  	[smem:$0x3FB4] =	sst s7  }
0x10: {  	[smem:$0x3FB5] =	sst s8  }
0x11: {  	[smem:$0x3FB6] =	sst s9;
	s0 =	simm.s32 @!p0 $0x0  }
0x12: {  	s1 =	sld [smem:$0x3F9C];
	s0 =	simm.s32 @p0 $0x1  }
0x13: {  	[smem:$0x3FB7] =	sst s0;
	s0 =	simm.s32 @!p1 $0x0  }
0x14: {  	s2 =	sld [smem:$0x3F9B];
	s0 =	simm.s32 @p1 $0x1  }
0x15: {  	[smem:$0x3FB8] =	sst s0;
	s0 =	simm.s32 @!p2 $0x0  }
0x16: {  	s3 =	sld [smem:$0x3FDB];
	s0 =	simm.s32 @p2 $0x1  }
0x17: {  	s4 =	simm.s32 $0x1BF5;
	[smem:$0x3FBA] =	sst s0  }
0x18: {  	s0 =	sld [smem:$0x3F9D];
	_ =	swait.ge [sflag:s4], $0x0  }
0x19: {  	s7 =	sld [smem:$0x3F9E]  }
0x1a: {  	s8 =	sadd.s32 $0xFFFFE003, lr  }
0x1b: {  	s9 =	sadd.s32 $0xFFFFFEF7, lr;
	s5 =	simm.s32 $0xFFFFFFFF;
	p2 =	slt.u32 s8, $0xFFFFF086  }
0x1c: {  	p1 =	slt.u32 s9, $0xF7A;
	s5 =	simm.s32 @!p2 $0x0  }
0x1d: {  	s5 =	simm.s32 @p1 $0x1;
	p0 =	seq.s32 s7, s2  }
0x1e: {  	s7 =	smul.u32 @!p0 $0xF7A, s2;
	p2 =	seq.s32 @!p0 s5, $0x0  }
0x1f: {  	s9 =	smul.u32 $0xF7A, s1;
	s8 =	simm.s32 @!p0 $0x1BF5;
	p2 =	por !p2, p0  }
0x20: {  	[sflag:s8] =	ssyncset.s32 @!p0 $0xFFFFF086;
	s6 =	sadd.s32 @!p0 s3, s7;
	s7 =	simm.s32 @!p0 $0x108  }
0x21: {  	s3 =	sadd.s32 s3, s9;
	s6 =	sadd.s32 @!p0 $0x88, s6;
	s7 =	simm.s32 @p2 $0x1082  }
0x22: {  	[simem:s7], [sflag:s8] =	dma.local @!p0 [hbm:s6], $0xF7A  }
0x23: {  	s9 =	sor.u32 $0xD0000000, s2;
	s6 =	simm.s32 $0x108;
	_ =	swait.ge @!p0 [sflag:s8], $0x0  }
0x24: {  	s3 =	sadd.s32 $0x88, s3;
	s6 =	simm.s32 @!p1 $0x1082;
	[sflag:s4] =	ssyncset.s32 $0xFFFFF086  }
0x25: {  	[simem:s6], [sflag:s4] =	dma.local [hbm:s3], $0xF7A  }
0x26: {  	[smem:$0x3F9E] =	sst s1;
	(tag) =	ssettag s2;
	_ =	strace s9  }
0x27: {  	s1 =	sld [smem:$0x3FAE]  }
0x28: {  	s2 =	sld [smem:$0x3FAF]  }
0x29: {  	s4 =	sld [smem:$0x3FB1]  }
0x2a: {  	p0 =	seq.s32 s5, $0x0;
	s5 =	sld [smem:$0x3FB2]  }
0x2b: {  	s6 =	sld [smem:$0x3FB3]  }
0x2c: {  	s7 =	sld [smem:$0x3FB4]  }
0x2d: {  	s3 =	simm.s32 $0x108;
	s8 =	sld [smem:$0x3FB5]  }
0x2e: {  	s3 =	simm.s32 @!p0 $0x1082;
	s9 =	sld [smem:$0x3FB6]  }
0x2f: {  	lr =	sadd.s32 s0, s3;
	s0 =	sld [smem:$0x3FAD]  }
0x30: {  	s3 =	sld [smem:$0x3FB0]  }
0x31: {  	[smem:$0x3FB9] =	sst s10  }
0x32: {  	s10 =	sld [smem:$0x3FB7];
	_ =	sdelay $0x3  }
0x33: {  	p0 =	seq.s32 s10, $0x1;
	s10 =	sld [smem:$0x3FB9];
	_ =	sdelay $0x3  }
0x34: {  	[smem:$0x3FB9] =	sst s10  }
0x35: {  	s10 =	sld [smem:$0x3FB8];
	_ =	sdelay $0x3  }
0x36: {  	p1 =	seq.s32 s10, $0x1;
	s10 =	sld [smem:$0x3FB9];
	_ =	sdelay $0x3  }
0x37: {  	[smem:$0x3FB9] =	sst s10  }
0x38: {  	s10 =	sld [smem:$0x3FBA]  }
0x39: {  	_ = 	snop;
	(pc) =	sbr.ind lr, $3  }
0x3a: {  	_ = 	snop  }
0x3b: {  	_ = 	snop  }
0x3c: {  	p2 =	seq.s32 s10, $0x1;
	s10 =	sld [smem:$0x3FB9]  }
0x3d: {  	_ =	shalt  }
0x3e: {  	_ =	shalt  }
0x3f: {  	_ =	shalt  }
0x40: {  	_ =	shalt  }
0x41: {  	_ =	shalt  }
0x42: {  	_ =	shalt  }
0x43: {  	_ =	shalt  }
0x44: {  	_ =	shalt  }
0x45: {  	_ =	shalt  }
0x46: {  	_ =	shalt  }
0x47: {  	_ =	shalt  }
0x48: {  	_ =	shalt  }
0x49: {  	_ =	shalt  }
0x4a: {  	_ =	shalt  }
0x4b: {  	_ =	shalt  }
0x4c: {  	_ =	shalt  }
0x4d: {  	_ =	shalt  }
0x4e: {  	_ =	shalt  }
0x4f: {  	_ =	shalt  }
0x50: {  	_ =	shalt  }
0x51: {  	_ =	shalt  }
0x52: {  	_ =	shalt  }
0x53: {  	_ =	shalt  }
0x54: {  	_ =	shalt  }
0x55: {  	_ =	shalt  }
0x56: {  	_ =	shalt  }
0x57: {  	_ =	shalt  }
0x58: {  	_ =	shalt  }
0x59: {  	_ =	shalt  }
0x5a: {  	_ =	shalt  }
0x5b: {  	_ =	shalt  }
0x5c: {  	_ =	shalt  }
0x5d: {  	_ =	shalt  }
0x5e: {  	_ =	shalt  }
0x5f: {  	_ =	shalt  }
0x60: {  	_ =	shalt  }
0x61: {  	_ =	shalt  }
0x62: {  	_ =	shalt  }
0x63: {  	_ =	shalt  }
0x64: {  	_ =	shalt  }
0x65: {  	_ =	shalt  }
0x66: {  	_ =	shalt  }
0x67: {  	_ =	shalt  }
0x68: {  	_ =	shalt  }
0x69: {  	_ =	shalt  }
0x6a: {  	_ =	shalt  }
0x6b: {  	_ =	shalt  }
0x6c: {  	_ =	shalt  }
0x6d: {  	_ =	shalt  }
0x6e: {  	_ =	shalt  }
0x6f: {  	_ =	shalt  }
0x70: {  	_ =	shalt  }
0x71: {  	_ =	shalt  }
0x72: {  	_ =	shalt  }
0x73: {  	_ =	shalt  }
0x74: {  	_ =	shalt  }
0x75: {  	_ =	shalt  }
0x76: {  	_ =	shalt  }
0x77: {  	_ =	shalt  }
0x78: {  	_ =	shalt  }
0x79: {  	_ =	shalt  }
0x7a: {  	_ =	shalt  }
0x7b: {  	_ =	shalt  }
0x7c: {  	_ =	shalt  }
0x7d: {  	_ =	shalt  }
0x7e: {  	_ =	shalt  }
0x7f: {  	_ =	shalt  }
0x80: {  	_ =	shalt  }
0x81: {  	_ =	shalt  }
0x82: {  	_ =	shalt  }
0x83: {  	_ =	shalt  }
0x84: {  	_ =	shalt  }
0x85: {  	_ =	shalt  }
0x86: {  	_ =	shalt  }
0x87: {  	_ =	shalt  }
.Lfunc_end0:
.L_simem_size_0:
called_computation_lowered:
.L_overlay_start_0:
0x88: {  	s2 =	sld [smem:$0x3FD9]  }
0x89: {  	s3 =	sld [smem:$0x3FFE];
	_ =	sdelay $0x1  }
0x8a: {  	s1 =	srdreg.scid  }
0x8b: {  	s0 =	sand.u32 $0x1, s1  }
0x8c: {  	s14 =	sshll.u32 s0, $0xA;
	s2 =	sadd.s32 s3, s2  }
0x8d: {  	s2 =	sadd.s32 s2, s14  }
0x8e: {  	[smem:$0x3FC5] =	sst s2  }
0x8f: {  	_ = 	snop  }
0x90: {  	s2 =	sld [smem:$0x3FD0];
	_ =	sdelay $0x3  }
0x91: {  	s4 =	simm.s32 $0xA;
	s5 =	simm.s32 $0x10;
	s15 =	sadd.s32 $0x1, s2  }
0x92: {  	[smem:s5], [sflag:s4] =	dma.local [hbm:s15], $0x1  }
0x93: {  	_ =	swait.eq [sflag:s4], $0x1  }
0x94: {  	s16 =	sld [smem:$0x10]  }
0x95: {  	s6 =	sld [smem:$0x11]  }
0x96: {  	s7 =	sld [smem:$0x12];
	[sflag:s4] =	ssyncset.done $0x0  }
0x97: {  	s8 =	sld [smem:$0x13];
	[sflag:s4] =	ssyncadd.s32 $0xFFFFFFFF  }
0x98: {  	s9 =	sld [smem:$0x14]  }
0x99: {  	[smem:s5], [sflag:s4] =	dma.local [hbm:s2], $0x1  }
0x9a: {  	_ =	swait.eq [sflag:s4], $0x1  }
0x9b: {  	[sflag:s4] =	ssyncset.done $0x0  }
0x9c: {  	s17 =	sld [smem:$0x12];
	[sflag:s4] =	ssyncadd.s32 $0xFFFFFFFF  }
0x9d: {  	s18 =	sld [smem:$0x17];
	(tm) =	ssettm $0x1  }
0x9e: {  	s19 =	sld [smem:$0x3FFB];
	_ =	sdelay $0x3  }
0x9f: {  	_ =	strace s19  }
0xa0: {  	s5 =	sld [smem:$0x3FFC];
	_ =	sdelay $0x3  }
0xa1: {  	_ =	strace s5  }
0xa2: {  	s5 =	sld [smem:$0x3FFD];
	_ =	sdelay $0x3  }
0xa3: {  	_ =	strace s5  }
0xa4: {  	_ =	strace $0x8FFFFFFF  }
0xa5: {  	s20 =	sld [smem:$0x3FDB];
	_ =	sdelay $0x1  }
0xa6: {  	s10 =	simm.s32 $_scs_section_size  }
0xa7: {  	s11 =	simm.s32 $_size__tile_overlayer_lowered;
	s12 =	simm.s32 $_tile_overlayer_lowered  }
0xa8: {  	s23 =	simm.s32 $0x1BFF;
	s22 =	sshll.u32 s12, $0x1;
	s5 =	sadd.s32 s10, s20  }
0xa9: {  	s13 =	simm.s32 $0x0;
	s21 =	sshll.u32 s11, $0x1;
	s11 =	sadd.s32 s22, s5  }
0xaa: {  	[timem:s13], [sflag:s23] =	dma.local [hbm:s11], s21  }
0xab: {  	_ =	swait.ge [sflag:s23], s21  }
0xac: {  	s10 =	ssub.s32 $0x0, s21;
	[sflag:s23] =	ssyncset.done $0x0  }
0xad: {  	[sflag:s23] =	ssyncadd.s32 s10;
	_ =	sdelay $0x1  }
0xae: {  	s24 =	simm.s32 $0x1B8B  }
0xaf: {  	_ =	swait.ge [sflag:s24], $0x1  }
0xb0: {  	[sflag:s24] =	ssyncset.done $0x0  }
0xb1: {  	s25 =	simm.s32 $0x1B8E;
	[sflag:s24] =	ssyncadd.s32 $0xFFFFFFFF  }
0xb2: {  	s26 =	simm.s32 $execute0_lowered;
	[smem:$0x3FD2] =	sst s25  }
0xb3: {  	s10 =	sshll.u32 s26, $0x1;
	_ =	strace $0x80000046;
	[dreg:$0x1] =	wrdreg $0xFFFFFFFF  }
0xb4: {  	s28 =	simm.s32 $_size_execute0_lowered;
	s5 =	sadd.s32 s5, s10;
	[dreg:$0x0] =	wrdreg $0x0  }
0xb5: {  	s10 =	sshll.u32 s28, $0x1;
	[dreg:$0x2] =	wrdreg s5  }
0xb6: {  	[dreg:$0x3] =	wrdreg s10  }
0xb7: {  	[dreg:$0x4] =	wrdreg $0xC0  }
0xb8: {  	_ =	task [dreg:s13], $0x5FFFF  }
0xb9: {  	[dreg:$0x1] =	wrdreg $0xFFFFFFFF  }
0xba: {  	[dreg:$0x0] =	wrdreg $0x60  }
0xbb: {  	[dreg:$0x2] =	wrdreg s16  }
0xbc: {  	[dreg:$0x3] =	wrdreg s6  }
0xbd: {  	[dreg:$0x4] =	wrdreg s9  }
0xbe: {  	[dreg:$0x5] =	wrdreg s8  }
0xbf: {  	[dreg:$0x6] =	wrdreg s18  }
0xc0: {  	[dreg:$0x7] =	wrdreg s17  }
0xc1: {  	[dreg:$0x8] =	wrdreg s7  }
0xc2: {  	[dreg:$0x9] =	wrdreg $0x38800  }
0xc3: {  	[dreg:$0xa] =	wrdreg $0x9  }
0xc4: {  	_ =	task.clear_ibuf [dreg:s13], $0xBFFFF;
	_ =	strace $0x90000046  }
0xc5: {  	s29 =	simm.s32 $0x9;
	_ =	strace $0x80000048  }
0xc6: {  	_ =	swait.ge [sflag:s29], $0x1  }
0xc7: {  	[sflag:s29] =	ssyncadd.s32 $0xFFFFFFFF  }
0xc8: {  	_ =	strace $0x90000048  }
0xc9: {  	_ =	sfence  }
0xca: {  	s30 =	sld [smem:$0x0];
	_ =	sdelay $0x2  }
0xcb: {  	s31 =	sshll.u32 s1, $0xD;
	s1 =	sshrl.u32 s1, $0x2  }
0xcc: {  	s3 =	sand.u32 $0x4000, s31;
	s1 =	sadd.s32 s1, s30  }
0xcd: {  	s0 =	sor.u32 s3, s0;
	s1 =	sshll.u32 s1, $0x11  }
0xce: {  	s0 =	sor.u32 s1, s0  }
0xcf: {  	s0 =	sadd.s32 $0x8F2B, s0  }
0xd0: {  	[sflag:s0] =	ssyncadd.remote.s32 $0x1  }
0xd1: {  	_ =	sfence.sel $0xFFFF  }
0xd2: {  	[dreg:$0x0] =	wrdreg $0xFFFFFFFF;
	(pc) =	sbr.abs _section_cstart, $3  }
0xd3: {  	[dreg:$0x1] =	wrdreg $0xFFFFFFFF  }
0xd4: {  	_ =	task.clear_ibuf [dreg:s13], $0x2FFFF;
	_ =	strace $0x9FFFFFFF  }
0xd5: {  	(tm) =	ssettm $0x7FFFFFFF  }
tec
execute0_lowered:
.L_overlay_start_1:
0x0: {  	(tag) =	ssettag $0x1  }
0x1: {  	s0 =	rddreg [dreg:$0x0]  }
0x2: {  	s1 =	rddreg [dreg:$0x1]  }
0x3: {  	s2 =	rddreg [dreg:$0x2]  }
0x4: {  	s4 =	rddreg [dreg:$0x3]  }
0x5: {  	s5 =	rddreg [dreg:$0x4]  }
0x6: {  	s6 =	rddreg [dreg:$0x5]  }
0x7: {  	s7 =	rddreg [dreg:$0x6]  }
0x8: {  	s8 =	rddreg [dreg:$0x7];
	s10 =	srdreg.scid  }
0x9: {  	s3 =	rddreg [dreg:$0x8];
	s9 =	simm.s32 $0x0;
	s14 =	simm.s32 $0x5500  }
0xa: {  	s15 =	simm.s32 $0x5580;
	s16 =	simm.s32 $0x1;
	s17 =	simm.s32 $0x1C80  }
.Ltmp0:
0xb: {  	s18 =	simm.s32 $0x80;
	s11 =	sand.u32 $0x1, s10;
	(pc) =	sbr.rel .LBB2_1-.Ltmp0, $4  }
0xc: {  	s19 =	simm.s32 $0x1C00;
	s20 =	simm.s32 $0x0;
	s12 =	ssub.s32 $0x2, s11  }
0xd: {  	[smem:$0x7FF] =	sst s9;
	s10 =	stileid.u32;
	s13 =	sshrl.u32 s12, $0x1  }
0xe: {  	_ =	strace $0x80000047;
	p0 =	seq.s32 s11, $0x1;
	s12 =	ssub.s32 s12, s13  }
0xf: {  	v0 =	vimm.s32 $0x0;
	v1 =	vimm.s32 $0x1;
	s11 =	sshll.u32 s10, $0x4;
	s13 =	simm.s32 $0x5480;
	s12 =	smax.u32 s12, $0x1  }
.LBB2_6:
0x10: {  	[sflag:s16] =	ssyncadd.s32 $0xFFFFFF80;
	s23 =	smov.u32 s6  }
.LBB2_10:
0x11: {  	[bflag:$0x0] =	sbarrier.arrive $0xFFFF  }
0x12: {  	[tilespmem:s17], [sflag:$0x1] =	stream.linear.gather [spmem:s22], $0x1C00, $0x38;
	[tilespmem:$0x5600] =	vst v63  }
0x13: {  	s20 =	sadd.s32 $0x1, s20;
	_ =	swait.ge [sflag:s16], $0x1C00  }
0x14: {  	s21 =	sshrl.u32 s21, $0x3;
	p1 =	sne.s32 s20, s12;
	[sflag:s16] =	ssyncset.done $0x0  }
.Ltmp1:
0x15: {  	s21 =	sadd.s32 s23, s21;
	[sflag:s16] =	ssyncadd.s32 $0xFFFFE400;
	(pc) =	sbr.rel @!p1 .LBB2_11-.Ltmp1, $4  }
0x16: {  	[hbm4b:s21+s9] =	stream.linear.scatter [tilespmem:s17], [sflag:$0x1], $0x1C00, $0x38;
	[tilespmem:$0x5600] =	vst v63  }
0x17: {  	_ =	swait.ge [sflag:s16], $0x1C00  }
0x18: {  	[sflag:s16] =	ssyncset.done $0x0  }
0x19: {  	[sflag:s16] =	ssyncadd.s32 $0xFFFFE400  }
.LBB2_1:
0x1a: {  	[tilespmem:s13], [sflag:$0x1] =	stream.linear.gather [hbm4b:s2+s9], $0x1, $0x38;
	[tilespmem:$0x5600] =	vst v63  }
0x1b: {  	_ = 	snop  }
0x1c: {  	[tilespmem:s14], [sflag:$0x1] =	stream.linear.gather [hbm4b:s4+s9], $0x1, $0x38;
	[tilespmem:$0x5600] =	vst v63  }
0x1d: {  	_ = 	snop  }
0x1e: {  	[tilespmem:s15], [sflag:$0x1] =	stream.linear.gather [hbm4b:s5+s9], $0x1, $0x38;
	[tilespmem:$0x5600] =	vst v63  }
0x1f: {  	_ =	swait.ge [sflag:s16], $0x1  }
0x20: {  	[sflag:s16] =	ssyncset.done $0x0  }
0x21: {  	[sflag:s16] =	ssyncadd.s32 $0xFFFFFFFF  }
0x22: {  	_ =	swait.ge [sflag:s16], $0x1  }
0x23: {  	[sflag:s16] =	ssyncset.done $0x0  }
0x24: {  	[sflag:s16] =	ssyncadd.s32 $0xFFFFFFFF  }
0x25: {  	_ =	swait.ge [sflag:s16], $0x1  }
0x26: {  	[sflag:s16] =	ssyncset.done $0x0  }
0x27: {  	[sflag:s16] =	ssyncadd.s32 $0xFFFFFFFF  }
0x28: {  	v2 =	vld [tilespmem:$0x5480];
	_ =	sdelay $0x4  }
0x29: {  	(v2sf) =	vpush v2, $0x0;
	_ =	sdelay $0xe  }
0x2a: {  	s21 =	spop (v2sf)  }
0x2b: {  	v3 =	vld [tilespmem:$0x5580];
	s22 =	sshll.u32 s21, $0x2  }
0x2c: {  	s23 =	simm.s32 $0x1BF;
	s24 =	simm.s32 $0x1C80;
	v2 =	vld [tilespmem:$0x5500];
	[tilespmem:s17+$0x0] =	vst v0;
	s22 =	sshra.s32 s22, $0x2  }
.LBB2_2:
0x2d: {  	p1 =	sne.s32 s23, $0x1  }
.Ltmp2:
0x2e: {  	_ = 	snop;
	(pc) =	sbr.rel @p1 .LBB2_2-.Ltmp2, $3  }
0x2f: {  	_ =	sdelay $0x1  }
0x30: {  	s23 =	sadd.s32 $0xFFFFFFFF, s23;
	s24 =	sadd.s32 s22, s24  }
0x31: {  	[tilespmem:s24+$0x0] =	vst v0  }
0x32: {  	(v2sf) =	vpush v2, $0x0;
	_ =	sdelay $0x2  }
0x33: {  	(v2sf) =	vpush v3, $0x0;
	_ =	sdelay $0x7  }
0x34: {  	[tilespmem:$0x1C00] =	vst v1;
	s22 =	sshll.u32 s21, $0x3;
	s23 =	smul.u32 $0xC, s21  }
0x35: {  	[tilespmem:s21+$0x1C00] =	vst v1;
	s22 =	sshra.s32 s22, $0x2  }
0x36: {  	s25 =	sshll.u32 s21, $0x4;
	s24 =	smul.u32 $0x14, s21;
	[tilespmem:s22+$0x1C00] =	vst v1;
	s23 =	sshra.s32 s23, $0x2  }
0x37: {  	s28 =	smul.u32 $0x18, s21;
	s26 =	sshra.s32 s25, $0x2;
	[tilespmem:s23+$0x1C00] =	vst v1  }
0x38: {  	s25 =	smul.u32 $0x1C, s21;
	s24 =	sshra.s32 s24, $0x2;
	[tilespmem:s26+$0x1C00] =	vst v1;
	s29 =	spop (v2sf)  }
0x39: {  	s23 =	sshra.s32 s28, $0x2;
	[tilespmem:s24+$0x1C00] =	vst v1;
	s21 =	smul.u32 s10, s29  }
0x3a: {  	s30 =	sshra.s32 s25, $0x2;
	[tilespmem:s23+$0x1C00] =	vst v1  }
.Ltmp3:
0x3b: {  	[tilespmem:s30+$0x1C00] =	vst v1;
	s31 =	spop (v2sf);
	s22 =	sadd.s32 s21, s8;
	(pc) =	sbr.rel @!p0 .LBB2_4-.Ltmp3, $4  }
0x3c: {  	[spmem:s22] =	stream.linear.scatter [tilespmem:s17], [sflag:$0x1], $0x1C00, $0x38;
	[tilespmem:$0x5600] =	vst v63  }
0x3d: {  	s23 =	smul.u32 s31, s11;
	_ =	swait.ge [sflag:s16], $0x1C00  }
0x3e: {  	[sflag:s16] =	ssyncset.done $0x0  }
0x3f: {  	s23 =	sand.u32 $0xFFFFF80, s23;
	[sflag:s16] =	ssyncadd.s32 $0xFFFFE400  }
0x40: {  	s23 =	sadd.s32 s1, s23;
	s24 =	simm.s32 $0x0  }
0x41: {  	[tilespmem:s24], [sflag:$0x1] =	stream.linear.gather [hbm4b:s23+s24], $0x1C00, $0x38;
	[tilespmem:$0x5600] =	vst v63  }
0x42: {  	_ =	swait.ge [sflag:s16], $0x1C00  }
0x43: {  	[sflag:s16] =	ssyncset.done $0x0  }
0x44: {  	[sflag:s16] =	ssyncadd.s32 $0xFFFFE400  }
0x45: {  	s31 =	simm.s32 $0x0;
	[bflag:$0x0] =	sbarrier.arrive $0xFFFF  }
0x46: {  	[spmem:s8] =	stream.indirect.scatter.add.s32 [tilespmem:s19], [sflag:$0x1], $0x1, s31, s18, $0xb8;
	[tilespmem:$0x5600] =	vst v63  }
0x47: {  	_ =	swait.ge [sflag:s16], $0x80  }
0x48: {  	s23 =	simm.s32 $0x200;
	[sflag:s16] =	ssyncset.done $0x0  }
.LBB2_8:
0x49: {  	s24 =	sshra.s32 s23, $0x2;
	[sflag:s16] =	ssyncadd.s32 $0xFFFFFF80;
	p1 =	sne.s32 s23, $0x6E00  }
0x4a: {  	[spmem:s8] =	stream.indirect.scatter.add.s32 [tilespmem:s19], [sflag:$0x1], $0x1, s24, s18, $0xb8;
	[tilespmem:$0x5600] =	vst v63  }
.Ltmp4:
0x4b: {  	_ = 	snop;
	(pc) =	sbr.rel @p1 .LBB2_8-.Ltmp4, $4  }
0x4c: {  	_ = 	snop  }
0x4d: {  	s23 =	sadd.s32 $0x200, s23  }
0x4e: {  	_ =	swait.ge [sflag:s16], $0x80  }
0x4f: {  	[sflag:s16] =	ssyncset.done $0x0  }
.Ltmp5:
0x50: {  	(pc) =	sbr.rel .LBB2_10-.Ltmp5, $2  }
0x51: {  	_ =	sdelay $0x2  }
0x52: {  	[sflag:s16] =	ssyncadd.s32 $0xFFFFFF80;
	s23 =	smov.u32 s7  }
.LBB2_4:
0x53: {  	s23 =	sadd.s32 s0, s23;
	s24 =	simm.s32 $0x0  }
0x54: {  	[tilespmem:s24], [sflag:$0x1] =	stream.linear.gather [hbm4b:s23+s24], $0x1C00, $0x38;
	[tilespmem:$0x5600] =	vst v63  }
0x55: {  	_ =	swait.ge [sflag:s16], $0x1C00  }
0x56: {  	[sflag:s16] =	ssyncset.done $0x0  }
0x57: {  	[sflag:s16] =	ssyncadd.s32 $0xFFFFE400  }
0x58: {  	s31 =	simm.s32 $0x0;
	[bflag:$0x0] =	sbarrier.arrive $0xFFFF  }
0x59: {  	[spmem:s8] =	stream.indirect.scatter.add.s32 [tilespmem:s19], [sflag:$0x1], $0x1, s31, s18, $0xb8;
	[tilespmem:$0x5600] =	vst v63  }
0x5a: {  	_ =	swait.ge [sflag:s16], $0x80  }
0x5b: {  	s23 =	simm.s32 $0x200;
	[sflag:s16] =	ssyncset.done $0x0  }
.LBB2_5:
0x5c: {  	s24 =	sshra.s32 s23, $0x2;
	[sflag:s16] =	ssyncadd.s32 $0xFFFFFF80;
	p1 =	seq.s32 s23, $0x6E00  }
0x5d: {  	[spmem:s8] =	stream.indirect.scatter.add.s32 [tilespmem:s19], [sflag:$0x1], $0x1, s24, s18, $0xb8;
	[tilespmem:$0x5600] =	vst v63  }
.Ltmp6:
0x5e: {  	_ = 	snop;
	(pc) =	sbr.rel @!p1 .LBB2_5-.Ltmp6, $4  }
0x5f: {  	_ = 	snop  }
0x60: {  	s23 =	sadd.s32 $0x200, s23  }
0x61: {  	_ =	swait.ge [sflag:s16], $0x80  }
0x62: {  	[sflag:s16] =	ssyncset.done $0x0  }
.Ltmp7:
0x63: {  	_ = 	snop;
	(pc) =	sbr.rel .LBB2_6-.Ltmp7, $1  }
0x64: {  	_ =	sdelay $0x3  }
.LBB2_11:
0x65: {  	_ =	sfence.sel $0x180000  }
0x66: {  	[bflag:$0x0] =	sbarrier.arrive $0xFFFF  }
0x67: {  	p0 =	sne.s32 s10, $0x0;
	_ =	strace $0x90000047  }
0x68: {  	s0 =	sadd.s32 @!p0 $0x100000, s3;
	[bflag:$0x2] =	sbarrier.arrive $0xFFFF  }
0x69: {  	[sflag:s0] =	ssyncadd.tile.s32 @!p0 $0x1;
	_ =	shalt  }
.Lfunc_end2:
_tile_overlayer_lowered:
.L_overlay_start_2:
0x6a: {  	(tag) =	ssettag $0x2  }
0x6b: {  	s0 =	rddreg [dreg:$0x0];
	s2 =	stileid.u32  }
0x6c: {  	s1 =	rddreg [dreg:$0x1];
	p0 =	sne.s32 s2, $0x0  }
0x6d: {  	s3 =	rddreg [dreg:$0x2];
	[bflag:$0x3] =	sbarrier.arrive $0xFFFF;
	s2 =	simm.s32 @!p0 $0x1C01  }
0x6e: {  	[timem:s3], [sflag:s2] =	dma.local @!p0 [hbm:s0], s1  }
0x6f: {  	s0 =	simm.s32 @!p0 $0x1  }
0x70: {  	_ =	swait.ge @!p0 [sflag:s0], s1  }
0x71: {  	s1 =	ssub.s32 @!p0 $0x0, s1;
	[sflag:s0] =	ssyncset.done @!p0 $0x0  }
0x72: {  	[sflag:s0] =	ssyncadd.s32 @!p0 s1  }
0x73: {  	[bflag:$0x3] =	sbarrier.arrive $0xFFFF  }
0x74: {  	_ =	shalt  }

</sc_bundles>
